<compile_context>
chip_gen: v7x
topology: tpu7x:2x2x1
jax: 0.10.2.dev20260603
libtpu: 0.0.44.dev20260713+nightly
codegen_flags: <defaults>
</compile_context>

<pallas_src>
import functools

import jax
import jax.numpy as jnp
from jax import lax
from jax.experimental import pallas as pl
from jax.experimental.pallas import tpu as pltpu
from jax.experimental.pallas import tpu_sc as plsc

D = 1024
NC, NS = 2, 16
NW = NC * NS
CHUNK = 8


def _make_gather(n_idx):
    b_per_w = n_idx // NW
    n_chunks = b_per_w // CHUNK
    n_iters = n_chunks // 4
    mesh = plsc.VectorSubcoreMesh(core_axis_name="c", subcore_axis_name="s")

    @functools.partial(
        pl.kernel,
        mesh=mesh,
        out_type=jax.ShapeDtypeStruct((n_idx, D), jnp.float32),
        scratch_types=[
            pltpu.VMEM((b_per_w,), jnp.int32),
            pltpu.VMEM((CHUNK, D), jnp.float32),
            pltpu.VMEM((CHUNK, D), jnp.float32),
            pltpu.VMEM((CHUNK, D), jnp.float32),
            pltpu.VMEM((CHUNK, D), jnp.float32),
            pltpu.SemaphoreType.DMA,
            pltpu.SemaphoreType.DMA,
            pltpu.SemaphoreType.DMA,
            pltpu.SemaphoreType.DMA,
            pltpu.SemaphoreType.DMA,
            pltpu.SemaphoreType.DMA,
            pltpu.SemaphoreType.DMA,
            pltpu.SemaphoreType.DMA,
        ],
    )
    def gather(pos_hbm, table_hbm, out_hbm, idx_v,
               r0, r1, r2, r3, gs0, gs1, gs2, gs3, ws0, ws1, ws2, ws3):
        wid = lax.axis_index("s") * NC + lax.axis_index("c")
        base = wid * b_per_w
        pltpu.sync_copy(pos_hbm.at[pl.ds(base, b_per_w)], idx_v)

        def g_src(i):
            return table_hbm.at[idx_v.at[pl.ds(i * CHUNK, CHUNK)]]

        def w_dst(i):
            return out_hbm.at[pl.ds(base + i * CHUNK, CHUNK)]

        pltpu.async_copy(g_src(0), r0, gs0)
        pltpu.async_copy(g_src(1), r1, gs1)

        def step(p, _):
            i = 4 * p

            @pl.when(p > 0)
            def _():
                pltpu.make_async_copy(r2, w_dst(i - 2), ws2).wait()
                pltpu.make_async_copy(r3, w_dst(i - 1), ws3).wait()

            pltpu.async_copy(g_src(i + 2), r2, gs2)
            pltpu.async_copy(g_src(i + 3), r3, gs3)

            pltpu.make_async_copy(g_src(i), r0, gs0).wait()
            pltpu.async_copy(r0, w_dst(i), ws0)
            pltpu.make_async_copy(g_src(i + 1), r1, gs1).wait()
            pltpu.async_copy(r1, w_dst(i + 1), ws1)

            pltpu.make_async_copy(r0, w_dst(i), ws0).wait()
            pltpu.make_async_copy(r1, w_dst(i + 1), ws1).wait()

            @pl.when(p + 1 < n_iters)
            def _():
                pltpu.async_copy(g_src(i + 4), r0, gs0)
                pltpu.async_copy(g_src(i + 5), r1, gs1)

            pltpu.make_async_copy(g_src(i + 2), r2, gs2).wait()
            pltpu.async_copy(r2, w_dst(i + 2), ws2)
            pltpu.make_async_copy(g_src(i + 3), r3, gs3).wait()
            pltpu.async_copy(r3, w_dst(i + 3), ws3)

            return 0

        lax.fori_loop(0, n_iters, step, 0)

        last = n_chunks - 2
        pltpu.make_async_copy(r2, w_dst(last), ws2).wait()
        pltpu.make_async_copy(r3, w_dst(last + 1), ws3).wait()

    return gather


def kernel(position_ids, table):
    pos = position_ids.reshape(-1)
    out = _make_gather(pos.shape[0])(pos, table)
    return out.reshape(position_ids.shape + (table.shape[1],))

# --- scband reference (transcript-rebuilt; emitter-appended) ---
"""Pipeline reference for scband-sinusoidal-position-encoding-15805479649295 (READ-ONLY COPY).

The authoritative reference and input builder live on the scoring server;
editing this copy changes nothing except your own understanding.
"""

import jax, jax.numpy as jnp
import numpy as np

MAX_POSITION = 8192
EMBEDDING_SIZE = 1024
BATCH = 4
SEQ_LEN = 8192


def get_sinusoid_encoding_table(n_position, d_hid):
    # Faithful translation of the classic get_sinusoid_encoding_table:
    # angle[pos, j] = pos / 10000^(2*(j//2)/d_hid); sin on even dims, cos on odd dims.
    pos = np.arange(n_position, dtype=np.float64)[:, None]
    j = np.arange(d_hid, dtype=np.float64)[None, :]
    angle = pos / np.power(10000.0, 2.0 * np.floor(j / 2.0) / d_hid)
    j_int = np.arange(d_hid)[None, :]
    table = np.where((j_int % 2) == 0, np.sin(angle), np.cos(angle))
    return jnp.asarray(table, dtype=jnp.float32)


def setup_inputs(seed: int = 0) -> dict:
    key = jax.random.key(seed)
    position_ids = jax.random.randint(key, (BATCH, SEQ_LEN), 0, MAX_POSITION, dtype=jnp.int32)
    table = get_sinusoid_encoding_table(MAX_POSITION, EMBEDDING_SIZE)
    return {"position_ids": position_ids, "table": table}


def reference(position_ids, table):
    # nn.Embedding lookup -> row gather from the (frozen) sinusoidal table.
    return jnp.take(table, position_ids, axis=0)

if __name__ == "__main__":
    import jax
    _d = setup_inputs()
    print(jax.jit(kernel)(*tuple(_d.values())))

</pallas_src>

<mosaic_0001>
#map = affine_map<(d0, d1) -> (0)>
#map1 = affine_map<(d0, d1) -> (0, 0)>
module attributes {stable_mosaic.version = 14 : i64} {
  func.func @gather(%arg0: i32, %arg1: i32, %arg2: memref<32768xi32, #tpu.memory_space<hbm>>, %arg3: memref<8192x1024xf32, #tpu.memory_space<hbm>>, %arg4: memref<32768x1024xf32, #tpu.memory_space<hbm>>, %arg5: memref<1024xi32, #tpu.memory_space<vmem>>, %arg6: memref<8x1024xf32, #tpu.memory_space<vmem>>, %arg7: memref<8x1024xf32, #tpu.memory_space<vmem>>, %arg8: memref<8x1024xf32, #tpu.memory_space<vmem>>, %arg9: memref<8x1024xf32, #tpu.memory_space<vmem>>, %arg10: memref<!tpu.dma_semaphore, #tpu.memory_space<semaphore_mem>>, %arg11: memref<!tpu.dma_semaphore, #tpu.memory_space<semaphore_mem>>, %arg12: memref<!tpu.dma_semaphore, #tpu.memory_space<semaphore_mem>>, %arg13: memref<!tpu.dma_semaphore, #tpu.memory_space<semaphore_mem>>, %arg14: memref<!tpu.dma_semaphore, #tpu.memory_space<semaphore_mem>>, %arg15: memref<!tpu.dma_semaphore, #tpu.memory_space<semaphore_mem>>, %arg16: memref<!tpu.dma_semaphore, #tpu.memory_space<semaphore_mem>>, %arg17: memref<!tpu.dma_semaphore, #tpu.memory_space<semaphore_mem>>) attributes {dimension_semantics = [#tpu.dimension_semantics<core_parallel>, #tpu.dimension_semantics<subcore_parallel>], iteration_bounds = array<i64: 2, 16>, scalar_prefetch = 0 : i64, scratch_operands = 13 : i64, tpu.core_type = #tpu.core_type<sc_vector_subcore>, window_params = [{transform_indices = #map}, {transform_indices = #map1}, {transform_indices = #map1}]} {
    %mul3A = arith.constant 2 : i32
    %mul3A_0 = arith.muli %arg1, %mul3A : i32
    %add3A = arith.addi %mul3A_0, %arg0 : i32
    %mul3A_1 = arith.constant 1024 : i32
    %mul3A_2 = arith.muli %add3A, %mul3A_1 : i32
    "tpu.region"() ({
      %run_scoped3A = tpu.sem_alloc : memref<!tpu.dma_semaphore, #tpu.memory_space<semaphore_mem>>
      %dma_start3A_29 = tpu.memref_slice %arg2[%mul3A_2] : memref<32768xi32, #tpu.memory_space<hbm>> -> memref<1024xi32, #tpu.memory_space<hbm>>
      %dma_start3A_30 = tpu.memref_slice %arg2[%mul3A_2] : memref<32768xi32, #tpu.memory_space<hbm>> -> memref<1024xi32, #tpu.memory_space<hbm>>
      tpu.enqueue_dma source(%dma_start3A_30 : memref<1024xi32, #tpu.memory_space<hbm>>) target(%arg5 : memref<1024xi32, #tpu.memory_space<vmem>>) target_semaphore(%run_scoped3A : memref<!tpu.dma_semaphore, #tpu.memory_space<semaphore_mem>>)
      %dma_wait3A_31 = tpu.memref_slice %arg2[%mul3A_2] : memref<32768xi32, #tpu.memory_space<hbm>> -> memref<1024xi32, #tpu.memory_space<hbm>>
      %dma_wait3A_32 = tpu.memref_slice %arg2[%mul3A_2] : memref<32768xi32, #tpu.memory_space<hbm>> -> memref<1024xi32, #tpu.memory_space<hbm>>
      tpu.wait_dma2 semaphore(%run_scoped3A : memref<!tpu.dma_semaphore, #tpu.memory_space<semaphore_mem>>) src(%dma_wait3A_32 : memref<1024xi32, #tpu.memory_space<hbm>>) dst(%arg5 : memref<1024xi32, #tpu.memory_space<vmem>>)
      tpu.yield
    }) : () -> ()
    %dma_start3A = arith.constant 0 : i32
    %dma_start3A_3 = tpu.memref_slice %arg5[%dma_start3A] : memref<1024xi32, #tpu.memory_space<vmem>> -> memref<8xi32, #tpu.memory_space<vmem>>
    %dma_start3A_4 = arith.constant 0 : i32
    %dma_start3A_5 = arith.constant 0 : i32
    %dma_start3A_6 = tpu.memref_slice %arg3[%dma_start3A_4, %dma_start3A_5] : memref<8192x1024xf32, #tpu.memory_space<hbm>> -> memref<8192x1024xf32, #tpu.memory_space<hbm>>
    tpu.enqueue_indirect_dma source(%dma_start3A_6 : memref<8192x1024xf32, #tpu.memory_space<hbm>>) target(%arg6 : memref<8x1024xf32, #tpu.memory_space<vmem>>) offsets(%dma_start3A_3 : memref<8xi32, #tpu.memory_space<vmem>>) semaphore(%arg10 : memref<!tpu.dma_semaphore, #tpu.memory_space<semaphore_mem>>)
    %dma_start3A_7 = arith.constant 8 : i32
    %dma_start3A_8 = tpu.memref_slice %arg5[%dma_start3A_7] : memref<1024xi32, #tpu.memory_space<vmem>> -> memref<8xi32, #tpu.memory_space<vmem>>
    %dma_start3A_9 = arith.constant 0 : i32
    %dma_start3A_10 = arith.constant 0 : i32
    %dma_start3A_11 = tpu.memref_slice %arg3[%dma_start3A_9, %dma_start3A_10] : memref<8192x1024xf32, #tpu.memory_space<hbm>> -> memref<8192x1024xf32, #tpu.memory_space<hbm>>
    tpu.enqueue_indirect_dma source(%dma_start3A_11 : memref<8192x1024xf32, #tpu.memory_space<hbm>>) target(%arg7 : memref<8x1024xf32, #tpu.memory_space<vmem>>) offsets(%dma_start3A_8 : memref<8xi32, #tpu.memory_space<vmem>>) semaphore(%arg11 : memref<!tpu.dma_semaphore, #tpu.memory_space<semaphore_mem>>)
    %scan3A = arith.constant 0 : i32
    %scan3A_12 = arith.constant 0 : i32
    %scan3A_13 = arith.constant 32 : i32
    %scan3A_14 = arith.addi %scan3A_12, %scan3A_13 : i32
    %scan3A_15 = arith.constant 1 : i32
    %scan3A_16 = scf.for %scan3A_29 = %scan3A_12 to %scan3A_14 step %scan3A_15 iter_args(%scan3A_30 = %scan3A) -> (i32)  : i32 {
      %mul3A_31 = arith.constant 4 : i32
      %mul3A_32 = arith.muli %mul3A_31, %scan3A_29 : i32
      %gt3A = arith.constant 0 : i32
      %gt3A_33 = arith.cmpi sgt, %scan3A_29, %gt3A : i32
      %convert_element_type3A = arith.extui %gt3A_33 : i1 to i32
      %cond3A = arith.constant 0 : i32
      %cond3A_34 = arith.cmpi ne, %convert_element_type3A, %cond3A : i32
      scf.if %cond3A_34 {
        %sub3A = arith.constant 2 : i32
        %sub3A_138 = arith.subi %mul3A_32, %sub3A : i32
        %mul3A_139 = arith.constant 8 : i32
        %mul3A_140 = arith.muli %sub3A_138, %mul3A_139 : i32
        %add3A_141 = arith.addi %mul3A_2, %mul3A_140 : i32
        %dma_wait3A_142 = arith.constant 0 : i32
        %dma_wait3A_143 = tpu.memref_slice %arg4[%add3A_141, %dma_wait3A_142] : memref<32768x1024xf32, #tpu.memory_space<hbm>> -> memref<8x1024xf32, #tpu.memory_space<hbm>>
        %dma_wait3A_144 = arith.constant 0 : i32
        %dma_wait3A_145 = tpu.memref_slice %arg4[%add3A_141, %dma_wait3A_144] : memref<32768x1024xf32, #tpu.memory_space<hbm>> -> memref<8x1024xf32, #tpu.memory_space<hbm>>
        tpu.wait_dma2 semaphore(%arg16 : memref<!tpu.dma_semaphore, #tpu.memory_space<semaphore_mem>>) src(%arg8 : memref<8x1024xf32, #tpu.memory_space<vmem>>) dst(%dma_wait3A_145 : memref<8x1024xf32, #tpu.memory_space<hbm>>)
        %sub3A_146 = arith.constant 1 : i32
        %sub3A_147 = arith.subi %mul3A_32, %sub3A_146 : i32
        %mul3A_148 = arith.constant 8 : i32
        %mul3A_149 = arith.muli %sub3A_147, %mul3A_148 : i32
        %add3A_150 = arith.addi %mul3A_2, %mul3A_149 : i32
        %dma_wait3A_151 = arith.constant 0 : i32
        %dma_wait3A_152 = tpu.memref_slice %arg4[%add3A_150, %dma_wait3A_151] : memref<32768x1024xf32, #tpu.memory_space<hbm>> -> memref<8x1024xf32, #tpu.memory_space<hbm>>
        %dma_wait3A_153 = arith.constant 0 : i32
        %dma_wait3A_154 = tpu.memref_slice %arg4[%add3A_150, %dma_wait3A_153] : memref<32768x1024xf32, #tpu.memory_space<hbm>> -> memref<8x1024xf32, #tpu.memory_space<hbm>>
        tpu.wait_dma2 semaphore(%arg17 : memref<!tpu.dma_semaphore, #tpu.memory_space<semaphore_mem>>) src(%arg9 : memref<8x1024xf32, #tpu.memory_space<vmem>>) dst(%dma_wait3A_154 : memref<8x1024xf32, #tpu.memory_space<hbm>>)
      } else {
      }
      %add3A_35 = arith.constant 2 : i32
      %add3A_36 = arith.addi %mul3A_32, %add3A_35 : i32
      %mul3A_37 = arith.constant 8 : i32
      %mul3A_38 = arith.muli %add3A_36, %mul3A_37 : i32
      %dma_start3A_39 = tpu.memref_slice %arg5[%mul3A_38] : memref<1024xi32, #tpu.memory_space<vmem>> -> memref<8xi32, #tpu.memory_space<vmem>>
      %dma_start3A_40 = arith.constant 0 : i32
      %dma_start3A_41 = arith.constant 0 : i32
      %dma_start3A_42 = tpu.memref_slice %arg3[%dma_start3A_40, %dma_start3A_41] : memref<8192x1024xf32, #tpu.memory_space<hbm>> -> memref<8192x1024xf32, #tpu.memory_space<hbm>>
      tpu.enqueue_indirect_dma source(%dma_start3A_42 : memref<8192x1024xf32, #tpu.memory_space<hbm>>) target(%arg8 : memref<8x1024xf32, #tpu.memory_space<vmem>>) offsets(%dma_start3A_39 : memref<8xi32, #tpu.memory_space<vmem>>) semaphore(%arg12 : memref<!tpu.dma_semaphore, #tpu.memory_space<semaphore_mem>>)
      %add3A_43 = arith.constant 3 : i32
      %add3A_44 = arith.addi %mul3A_32, %add3A_43 : i32
      %mul3A_45 = arith.constant 8 : i32
      %mul3A_46 = arith.muli %add3A_44, %mul3A_45 : i32
      %dma_start3A_47 = tpu.memref_slice %arg5[%mul3A_46] : memref<1024xi32, #tpu.memory_space<vmem>> -> memref<8xi32, #tpu.memory_space<vmem>>
      %dma_start3A_48 = arith.constant 0 : i32
      %dma_start3A_49 = arith.constant 0 : i32
      %dma_start3A_50 = tpu.memref_slice %arg3[%dma_start3A_48, %dma_start3A_49] : memref<8192x1024xf32, #tpu.memory_space<hbm>> -> memref<8192x1024xf32, #tpu.memory_space<hbm>>
      tpu.enqueue_indirect_dma source(%dma_start3A_50 : memref<8192x1024xf32, #tpu.memory_space<hbm>>) target(%arg9 : memref<8x1024xf32, #tpu.memory_space<vmem>>) offsets(%dma_start3A_47 : memref<8xi32, #tpu.memory_space<vmem>>) semaphore(%arg13 : memref<!tpu.dma_semaphore, #tpu.memory_space<semaphore_mem>>)
      %mul3A_51 = arith.constant 8 : i32
      %mul3A_52 = arith.muli %mul3A_32, %mul3A_51 : i32
      %dma_wait3A_53 = tpu.memref_slice %arg5[%mul3A_52] : memref<1024xi32, #tpu.memory_space<vmem>> -> memref<8xi32, #tpu.memory_space<vmem>>
      %dma_wait3A_54 = arith.constant 0 : i32
      %dma_wait3A_55 = arith.constant 0 : i32
      %dma_wait3A_56 = tpu.memref_slice %arg3[%dma_wait3A_54, %dma_wait3A_55] : memref<8192x1024xf32, #tpu.memory_space<hbm>> -> memref<8192x1024xf32, #tpu.memory_space<hbm>>
      tpu.wait_indirect_dma semaphore(%arg10 : memref<!tpu.dma_semaphore, #tpu.memory_space<semaphore_mem>>) src(%dma_wait3A_56 : memref<8192x1024xf32, #tpu.memory_space<hbm>>) dst(%arg6 : memref<8x1024xf32, #tpu.memory_space<vmem>>)
      %mul3A_57 = arith.constant 8 : i32
      %mul3A_58 = arith.muli %mul3A_32, %mul3A_57 : i32
      %add3A_59 = arith.addi %mul3A_2, %mul3A_58 : i32
      %dma_start3A_60 = arith.constant 0 : i32
      %dma_start3A_61 = tpu.memref_slice %arg4[%add3A_59, %dma_start3A_60] : memref<32768x1024xf32, #tpu.memory_space<hbm>> -> memref<8x1024xf32, #tpu.memory_space<hbm>>
      %dma_start3A_62 = arith.constant 0 : i32
      %dma_start3A_63 = tpu.memref_slice %arg4[%add3A_59, %dma_start3A_62] : memref<32768x1024xf32, #tpu.memory_space<hbm>> -> memref<8x1024xf32, #tpu.memory_space<hbm>>
      tpu.enqueue_dma source(%arg6 : memref<8x1024xf32, #tpu.memory_space<vmem>>) target(%dma_start3A_63 : memref<8x1024xf32, #tpu.memory_space<hbm>>) target_semaphore(%arg14 : memref<!tpu.dma_semaphore, #tpu.memory_space<semaphore_mem>>)
      %add3A_64 = arith.constant 1 : i32
      %add3A_65 = arith.addi %mul3A_32, %add3A_64 : i32
      %mul3A_66 = arith.constant 8 : i32
      %mul3A_67 = arith.muli %add3A_65, %mul3A_66 : i32
      %dma_wait3A_68 = tpu.memref_slice %arg5[%mul3A_67] : memref<1024xi32, #tpu.memory_space<vmem>> -> memref<8xi32, #tpu.memory_space<vmem>>
      %dma_wait3A_69 = arith.constant 0 : i32
      %dma_wait3A_70 = arith.constant 0 : i32
      %dma_wait3A_71 = tpu.memref_slice %arg3[%dma_wait3A_69, %dma_wait3A_70] : memref<8192x1024xf32, #tpu.memory_space<hbm>> -> memref<8192x1024xf32, #tpu.memory_space<hbm>>
      tpu.wait_indirect_dma semaphore(%arg11 : memref<!tpu.dma_semaphore, #tpu.memory_space<semaphore_mem>>) src(%dma_wait3A_71 : memref<8192x1024xf32, #tpu.memory_space<hbm>>) dst(%arg7 : memref<8x1024xf32, #tpu.memory_space<vmem>>)
      %add3A_72 = arith.constant 1 : i32
      %add3A_73 = arith.addi %mul3A_32, %add3A_72 : i32
      %mul3A_74 = arith.constant 8 : i32
      %mul3A_75 = arith.muli %add3A_73, %mul3A_74 : i32
      %add3A_76 = arith.addi %mul3A_2, %mul3A_75 : i32
      %dma_start3A_77 = arith.constant 0 : i32
      %dma_start3A_78 = tpu.memref_slice %arg4[%add3A_76, %dma_start3A_77] : memref<32768x1024xf32, #tpu.memory_space<hbm>> -> memref<8x1024xf32, #tpu.memory_space<hbm>>
      %dma_start3A_79 = arith.constant 0 : i32
      %dma_start3A_80 = tpu.memref_slice %arg4[%add3A_76, %dma_start3A_79] : memref<32768x1024xf32, #tpu.memory_space<hbm>> -> memref<8x1024xf32, #tpu.memory_space<hbm>>
      tpu.enqueue_dma source(%arg7 : memref<8x1024xf32, #tpu.memory_space<vmem>>) target(%dma_start3A_80 : memref<8x1024xf32, #tpu.memory_space<hbm>>) target_semaphore(%arg15 : memref<!tpu.dma_semaphore, #tpu.memory_space<semaphore_mem>>)
      %mul3A_81 = arith.constant 8 : i32
      %mul3A_82 = arith.muli %mul3A_32, %mul3A_81 : i32
      %add3A_83 = arith.addi %mul3A_2, %mul3A_82 : i32
      %dma_wait3A_84 = arith.constant 0 : i32
      %dma_wait3A_85 = tpu.memref_slice %arg4[%add3A_83, %dma_wait3A_84] : memref<32768x1024xf32, #tpu.memory_space<hbm>> -> memref<8x1024xf32, #tpu.memory_space<hbm>>
      %dma_wait3A_86 = arith.constant 0 : i32
      %dma_wait3A_87 = tpu.memref_slice %arg4[%add3A_83, %dma_wait3A_86] : memref<32768x1024xf32, #tpu.memory_space<hbm>> -> memref<8x1024xf32, #tpu.memory_space<hbm>>
      tpu.wait_dma2 semaphore(%arg14 : memref<!tpu.dma_semaphore, #tpu.memory_space<semaphore_mem>>) src(%arg6 : memref<8x1024xf32, #tpu.memory_space<vmem>>) dst(%dma_wait3A_87 : memref<8x1024xf32, #tpu.memory_space<hbm>>)
      %add3A_88 = arith.constant 1 : i32
      %add3A_89 = arith.addi %mul3A_32, %add3A_88 : i32
      %mul3A_90 = arith.constant 8 : i32
      %mul3A_91 = arith.muli %add3A_89, %mul3A_90 : i32
      %add3A_92 = arith.addi %mul3A_2, %mul3A_91 : i32
      %dma_wait3A_93 = arith.constant 0 : i32
      %dma_wait3A_94 = tpu.memref_slice %arg4[%add3A_92, %dma_wait3A_93] : memref<32768x1024xf32, #tpu.memory_space<hbm>> -> memref<8x1024xf32, #tpu.memory_space<hbm>>
      %dma_wait3A_95 = arith.constant 0 : i32
      %dma_wait3A_96 = tpu.memref_slice %arg4[%add3A_92, %dma_wait3A_95] : memref<32768x1024xf32, #tpu.memory_space<hbm>> -> memref<8x1024xf32, #tpu.memory_space<hbm>>
      tpu.wait_dma2 semaphore(%arg15 : memref<!tpu.dma_semaphore, #tpu.memory_space<semaphore_mem>>) src(%arg7 : memref<8x1024xf32, #tpu.memory_space<vmem>>) dst(%dma_wait3A_96 : memref<8x1024xf32, #tpu.memory_space<hbm>>)
      %add3A_97 = arith.constant 1 : i32
      %add3A_98 = arith.addi %scan3A_29, %add3A_97 : i32
      %lt3A = arith.constant 32 : i32
      %lt3A_99 = arith.cmpi slt, %add3A_98, %lt3A : i32
      %convert_element_type3A_100 = arith.extui %lt3A_99 : i1 to i32
      %cond3A_101 = arith.constant 0 : i32
      %cond3A_102 = arith.cmpi ne, %convert_element_type3A_100, %cond3A_101 : i32
      scf.if %cond3A_102 {
        %add3A_138 = arith.constant 4 : i32
        %add3A_139 = arith.addi %mul3A_32, %add3A_138 : i32
        %mul3A_140 = arith.constant 8 : i32
        %mul3A_141 = arith.muli %add3A_139, %mul3A_140 : i32
        %dma_start3A_142 = tpu.memref_slice %arg5[%mul3A_141] : memref<1024xi32, #tpu.memory_space<vmem>> -> memref<8xi32, #tpu.memory_space<vmem>>
        %dma_start3A_143 = arith.constant 0 : i32
        %dma_start3A_144 = arith.constant 0 : i32
        %dma_start3A_145 = tpu.memref_slice %arg3[%dma_start3A_143, %dma_start3A_144] : memref<8192x1024xf32, #tpu.memory_space<hbm>> -> memref<8192x1024xf32, #tpu.memory_space<hbm>>
        tpu.enqueue_indirect_dma source(%dma_start3A_145 : memref<8192x1024xf32, #tpu.memory_space<hbm>>) target(%arg6 : memref<8x1024xf32, #tpu.memory_space<vmem>>) offsets(%dma_start3A_142 : memref<8xi32, #tpu.memory_space<vmem>>) semaphore(%arg10 : memref<!tpu.dma_semaphore, #tpu.memory_space<semaphore_mem>>)
        %add3A_146 = arith.constant 5 : i32
        %add3A_147 = arith.addi %mul3A_32, %add3A_146 : i32
        %mul3A_148 = arith.constant 8 : i32
        %mul3A_149 = arith.muli %add3A_147, %mul3A_148 : i32
        %dma_start3A_150 = tpu.memref_slice %arg5[%mul3A_149] : memref<1024xi32, #tpu.memory_space<vmem>> -> memref<8xi32, #tpu.memory_space<vmem>>
        %dma_start3A_151 = arith.constant 0 : i32
        %dma_start3A_152 = arith.constant 0 : i32
        %dma_start3A_153 = tpu.memref_slice %arg3[%dma_start3A_151, %dma_start3A_152] : memref<8192x1024xf32, #tpu.memory_space<hbm>> -> memref<8192x1024xf32, #tpu.memory_space<hbm>>
        tpu.enqueue_indirect_dma source(%dma_start3A_153 : memref<8192x1024xf32, #tpu.memory_space<hbm>>) target(%arg7 : memref<8x1024xf32, #tpu.memory_space<vmem>>) offsets(%dma_start3A_150 : memref<8xi32, #tpu.memory_space<vmem>>) semaphore(%arg11 : memref<!tpu.dma_semaphore, #tpu.memory_space<semaphore_mem>>)
      } else {
      }
      %add3A_103 = arith.constant 2 : i32
      %add3A_104 = arith.addi %mul3A_32, %add3A_103 : i32
      %mul3A_105 = arith.constant 8 : i32
      %mul3A_106 = arith.muli %add3A_104, %mul3A_105 : i32
      %dma_wait3A_107 = tpu.memref_slice %arg5[%mul3A_106] : memref<1024xi32, #tpu.memory_space<vmem>> -> memref<8xi32, #tpu.memory_space<vmem>>
      %dma_wait3A_108 = arith.constant 0 : i32
      %dma_wait3A_109 = arith.constant 0 : i32
      %dma_wait3A_110 = tpu.memref_slice %arg3[%dma_wait3A_108, %dma_wait3A_109] : memref<8192x1024xf32, #tpu.memory_space<hbm>> -> memref<8192x1024xf32, #tpu.memory_space<hbm>>
      tpu.wait_indirect_dma semaphore(%arg12 : memref<!tpu.dma_semaphore, #tpu.memory_space<semaphore_mem>>) src(%dma_wait3A_110 : memref<8192x1024xf32, #tpu.memory_space<hbm>>) dst(%arg8 : memref<8x1024xf32, #tpu.memory_space<vmem>>)
      %add3A_111 = arith.constant 2 : i32
      %add3A_112 = arith.addi %mul3A_32, %add3A_111 : i32
      %mul3A_113 = arith.constant 8 : i32
      %mul3A_114 = arith.muli %add3A_112, %mul3A_113 : i32
      %add3A_115 = arith.addi %mul3A_2, %mul3A_114 : i32
      %dma_start3A_116 = arith.constant 0 : i32
      %dma_start3A_117 = tpu.memref_slice %arg4[%add3A_115, %dma_start3A_116] : memref<32768x1024xf32, #tpu.memory_space<hbm>> -> memref<8x1024xf32, #tpu.memory_space<hbm>>
      %dma_start3A_118 = arith.constant 0 : i32
      %dma_start3A_119 = tpu.memref_slice %arg4[%add3A_115, %dma_start3A_118] : memref<32768x1024xf32, #tpu.memory_space<hbm>> -> memref<8x1024xf32, #tpu.memory_space<hbm>>
      tpu.enqueue_dma source(%arg8 : memref<8x1024xf32, #tpu.memory_space<vmem>>) target(%dma_start3A_119 : memref<8x1024xf32, #tpu.memory_space<hbm>>) target_semaphore(%arg16 : memref<!tpu.dma_semaphore, #tpu.memory_space<semaphore_mem>>)
      %add3A_120 = arith.constant 3 : i32
      %add3A_121 = arith.addi %mul3A_32, %add3A_120 : i32
      %mul3A_122 = arith.constant 8 : i32
      %mul3A_123 = arith.muli %add3A_121, %mul3A_122 : i32
      %dma_wait3A_124 = tpu.memref_slice %arg5[%mul3A_123] : memref<1024xi32, #tpu.memory_space<vmem>> -> memref<8xi32, #tpu.memory_space<vmem>>
      %dma_wait3A_125 = arith.constant 0 : i32
      %dma_wait3A_126 = arith.constant 0 : i32
      %dma_wait3A_127 = tpu.memref_slice %arg3[%dma_wait3A_125, %dma_wait3A_126] : memref<8192x1024xf32, #tpu.memory_space<hbm>> -> memref<8192x1024xf32, #tpu.memory_space<hbm>>
      tpu.wait_indirect_dma semaphore(%arg13 : memref<!tpu.dma_semaphore, #tpu.memory_space<semaphore_mem>>) src(%dma_wait3A_127 : memref<8192x1024xf32, #tpu.memory_space<hbm>>) dst(%arg9 : memref<8x1024xf32, #tpu.memory_space<vmem>>)
      %add3A_128 = arith.constant 3 : i32
      %add3A_129 = arith.addi %mul3A_32, %add3A_128 : i32
      %mul3A_130 = arith.constant 8 : i32
      %mul3A_131 = arith.muli %add3A_129, %mul3A_130 : i32
      %add3A_132 = arith.addi %mul3A_2, %mul3A_131 : i32
      %dma_start3A_133 = arith.constant 0 : i32
      %dma_start3A_134 = tpu.memref_slice %arg4[%add3A_132, %dma_start3A_133] : memref<32768x1024xf32, #tpu.memory_space<hbm>> -> memref<8x1024xf32, #tpu.memory_space<hbm>>
      %dma_start3A_135 = arith.constant 0 : i32
      %dma_start3A_136 = tpu.memref_slice %arg4[%add3A_132, %dma_start3A_135] : memref<32768x1024xf32, #tpu.memory_space<hbm>> -> memref<8x1024xf32, #tpu.memory_space<hbm>>
      tpu.enqueue_dma source(%arg9 : memref<8x1024xf32, #tpu.memory_space<vmem>>) target(%dma_start3A_136 : memref<8x1024xf32, #tpu.memory_space<hbm>>) target_semaphore(%arg17 : memref<!tpu.dma_semaphore, #tpu.memory_space<semaphore_mem>>)
      %scan3A_137 = arith.constant 0 : i32
      scf.yield %scan3A_137 : i32
    }
    %scan3A_17 = arith.constant 32 : i32
    %add3A_18 = arith.constant 1008 : i32
    %add3A_19 = arith.addi %mul3A_2, %add3A_18 : i32
    %dma_wait3A = arith.constant 0 : i32
    %dma_wait3A_20 = tpu.memref_slice %arg4[%add3A_19, %dma_wait3A] : memref<32768x1024xf32, #tpu.memory_space<hbm>> -> memref<8x1024xf32, #tpu.memory_space<hbm>>
    %dma_wait3A_21 = arith.constant 0 : i32
    %dma_wait3A_22 = tpu.memref_slice %arg4[%add3A_19, %dma_wait3A_21] : memref<32768x1024xf32, #tpu.memory_space<hbm>> -> memref<8x1024xf32, #tpu.memory_space<hbm>>
    tpu.wait_dma2 semaphore(%arg16 : memref<!tpu.dma_semaphore, #tpu.memory_space<semaphore_mem>>) src(%arg8 : memref<8x1024xf32, #tpu.memory_space<vmem>>) dst(%dma_wait3A_22 : memref<8x1024xf32, #tpu.memory_space<hbm>>)
    %add3A_23 = arith.constant 1016 : i32
    %add3A_24 = arith.addi %mul3A_2, %add3A_23 : i32
    %dma_wait3A_25 = arith.constant 0 : i32
    %dma_wait3A_26 = tpu.memref_slice %arg4[%add3A_24, %dma_wait3A_25] : memref<32768x1024xf32, #tpu.memory_space<hbm>> -> memref<8x1024xf32, #tpu.memory_space<hbm>>
    %dma_wait3A_27 = arith.constant 0 : i32
    %dma_wait3A_28 = tpu.memref_slice %arg4[%add3A_24, %dma_wait3A_27] : memref<32768x1024xf32, #tpu.memory_space<hbm>> -> memref<8x1024xf32, #tpu.memory_space<hbm>>
    tpu.wait_dma2 semaphore(%arg17 : memref<!tpu.dma_semaphore, #tpu.memory_space<semaphore_mem>>) src(%arg9 : memref<8x1024xf32, #tpu.memory_space<vmem>>) dst(%dma_wait3A_28 : memref<8x1024xf32, #tpu.memory_space<hbm>>)
    return
  }
}

</mosaic_0001>

<sc_bundles>
// kernel: kernel.3.cloned.1.call-start
scs
__scs_entry_jumppad:
0x0: {  	(pc) =	sbr.rel $0x88, $3  }
0x1: {  	(tag) =	ssettag $0x0;
	lr =	simm.s32 $0x1  }
0x2: {  	[smem:$0x3F9F] =	sst lr;
	_ =	strace $0xD0000000  }
0x3: {  	_ = 	snop  }
0x4: {  	_ = 	snop  }
0x5: {  	_ = 	snop  }
0x6: {  	_ = 	snop  }
0x7: {  	_ = 	snop  }
__scs_overlays_trampoline_lowered:
0x8: {  	[smem:$0x3FAE] =	sst s0  }
0x9: {  	[smem:$0x3FAF] =	sst s1  }
0xa: {  	[smem:$0x3FB0] =	sst s2  }
0xb: {  	[smem:$0x3FB1] =	sst s3  }
0xc: {  	[smem:$0x3FB2] =	sst s4  }
0xd: {  	[smem:$0x3FB3] =	sst s5  }
0xe: {  	[smem:$0x3FB4] =	sst s6  }
0xf: {  	[smem:$0x3FB5] =	sst s7  }
0x10: {  	[smem:$0x3FB6] =	sst s8  }
0x11: {  	[smem:$0x3FB7] =	sst s9;
	s0 =	simm.s32 @!p0 $0x0  }
0x12: {  	s1 =	sld [smem:$0x3F9D];
	s0 =	simm.s32 @p0 $0x1  }
0x13: {  	[smem:$0x3FB8] =	sst s0;
	s0 =	simm.s32 @!p1 $0x0  }
0x14: {  	s2 =	sld [smem:$0x3F9C];
	s0 =	simm.s32 @p1 $0x1  }
0x15: {  	[smem:$0x3FB9] =	sst s0;
	s0 =	simm.s32 @!p2 $0x0  }
0x16: {  	s3 =	sld [smem:$0x3FDB];
	s0 =	simm.s32 @p2 $0x1  }
0x17: {  	s4 =	simm.s32 $0x1BF5;
	[smem:$0x3FBB] =	sst s0  }
0x18: {  	s0 =	sld [smem:$0x3F9E];
	_ =	swait.ge [sflag:s4], $0x0  }
0x19: {  	s7 =	sld [smem:$0x3F9F]  }
0x1a: {  	s8 =	sadd.s32 $0xFFFFE003, lr  }
0x1b: {  	s9 =	sadd.s32 $0xFFFFFEF7, lr;
	s5 =	simm.s32 $0xFFFFFFFF;
	p2 =	slt.u32 s8, $0xFFFFF086  }
0x1c: {  	p1 =	slt.u32 s9, $0xF7A;
	s5 =	simm.s32 @!p2 $0x0  }
0x1d: {  	s5 =	simm.s32 @p1 $0x1;
	p0 =	seq.s32 s7, s2  }
0x1e: {  	s7 =	smul.u32 @!p0 $0xF7A, s2;
	p2 =	seq.s32 @!p0 s5, $0x0  }
0x1f: {  	s9 =	smul.u32 $0xF7A, s1;
	s8 =	simm.s32 @!p0 $0x1BF5;
	p2 =	por !p2, p0  }
0x20: {  	[sflag:s8] =	ssyncset.s32 @!p0 $0xFFFFF086;
	s6 =	sadd.s32 @!p0 s3, s7;
	s7 =	simm.s32 @!p0 $0x108  }
0x21: {  	s3 =	sadd.s32 s3, s9;
	s6 =	sadd.s32 @!p0 $0x88, s6;
	s7 =	simm.s32 @p2 $0x1082  }
0x22: {  	[simem:s7], [sflag:s8] =	dma.local @!p0 [hbm:s6], $0xF7A  }
0x23: {  	s9 =	sor.u32 $0xD0000000, s2;
	s6 =	simm.s32 $0x108;
	_ =	swait.ge @!p0 [sflag:s8], $0x0  }
0x24: {  	s3 =	sadd.s32 $0x88, s3;
	s6 =	simm.s32 @!p1 $0x1082;
	[sflag:s4] =	ssyncset.s32 $0xFFFFF086  }
0x25: {  	[simem:s6], [sflag:s4] =	dma.local [hbm:s3], $0xF7A  }
0x26: {  	[smem:$0x3F9F] =	sst s1;
	(tag) =	ssettag s2;
	_ =	strace s9  }
0x27: {  	s1 =	sld [smem:$0x3FAF]  }
0x28: {  	s2 =	sld [smem:$0x3FB0]  }
0x29: {  	s4 =	sld [smem:$0x3FB2]  }
0x2a: {  	p0 =	seq.s32 s5, $0x0;
	s5 =	sld [smem:$0x3FB3]  }
0x2b: {  	s6 =	sld [smem:$0x3FB4]  }
0x2c: {  	s7 =	sld [smem:$0x3FB5]  }
0x2d: {  	s3 =	simm.s32 $0x108;
	s8 =	sld [smem:$0x3FB6]  }
0x2e: {  	s3 =	simm.s32 @!p0 $0x1082;
	s9 =	sld [smem:$0x3FB7]  }
0x2f: {  	lr =	sadd.s32 s0, s3;
	s0 =	sld [smem:$0x3FAE]  }
0x30: {  	s3 =	sld [smem:$0x3FB1]  }
0x31: {  	[smem:$0x3FBA] =	sst s10  }
0x32: {  	s10 =	sld [smem:$0x3FB8];
	_ =	sdelay $0x3  }
0x33: {  	p0 =	seq.s32 s10, $0x1;
	s10 =	sld [smem:$0x3FBA];
	_ =	sdelay $0x3  }
0x34: {  	[smem:$0x3FBA] =	sst s10  }
0x35: {  	s10 =	sld [smem:$0x3FB9];
	_ =	sdelay $0x3  }
0x36: {  	p1 =	seq.s32 s10, $0x1;
	s10 =	sld [smem:$0x3FBA];
	_ =	sdelay $0x3  }
0x37: {  	[smem:$0x3FBA] =	sst s10  }
0x38: {  	s10 =	sld [smem:$0x3FBB]  }
0x39: {  	_ = 	snop;
	(pc) =	sbr.ind lr, $3  }
0x3a: {  	_ = 	snop  }
0x3b: {  	_ = 	snop  }
0x3c: {  	p2 =	seq.s32 s10, $0x1;
	s10 =	sld [smem:$0x3FBA]  }
0x3d: {  	_ =	shalt  }
0x3e: {  	_ =	shalt  }
0x3f: {  	_ =	shalt  }
0x40: {  	_ =	shalt  }
0x41: {  	_ =	shalt  }
0x42: {  	_ =	shalt  }
0x43: {  	_ =	shalt  }
0x44: {  	_ =	shalt  }
0x45: {  	_ =	shalt  }
0x46: {  	_ =	shalt  }
0x47: {  	_ =	shalt  }
0x48: {  	_ =	shalt  }
0x49: {  	_ =	shalt  }
0x4a: {  	_ =	shalt  }
0x4b: {  	_ =	shalt  }
0x4c: {  	_ =	shalt  }
0x4d: {  	_ =	shalt  }
0x4e: {  	_ =	shalt  }
0x4f: {  	_ =	shalt  }
0x50: {  	_ =	shalt  }
0x51: {  	_ =	shalt  }
0x52: {  	_ =	shalt  }
0x53: {  	_ =	shalt  }
0x54: {  	_ =	shalt  }
0x55: {  	_ =	shalt  }
0x56: {  	_ =	shalt  }
0x57: {  	_ =	shalt  }
0x58: {  	_ =	shalt  }
0x59: {  	_ =	shalt  }
0x5a: {  	_ =	shalt  }
0x5b: {  	_ =	shalt  }
0x5c: {  	_ =	shalt  }
0x5d: {  	_ =	shalt  }
0x5e: {  	_ =	shalt  }
0x5f: {  	_ =	shalt  }
0x60: {  	_ =	shalt  }
0x61: {  	_ =	shalt  }
0x62: {  	_ =	shalt  }
0x63: {  	_ =	shalt  }
0x64: {  	_ =	shalt  }
0x65: {  	_ =	shalt  }
0x66: {  	_ =	shalt  }
0x67: {  	_ =	shalt  }
0x68: {  	_ =	shalt  }
0x69: {  	_ =	shalt  }
0x6a: {  	_ =	shalt  }
0x6b: {  	_ =	shalt  }
0x6c: {  	_ =	shalt  }
0x6d: {  	_ =	shalt  }
0x6e: {  	_ =	shalt  }
0x6f: {  	_ =	shalt  }
0x70: {  	_ =	shalt  }
0x71: {  	_ =	shalt  }
0x72: {  	_ =	shalt  }
0x73: {  	_ =	shalt  }
0x74: {  	_ =	shalt  }
0x75: {  	_ =	shalt  }
0x76: {  	_ =	shalt  }
0x77: {  	_ =	shalt  }
0x78: {  	_ =	shalt  }
0x79: {  	_ =	shalt  }
0x7a: {  	_ =	shalt  }
0x7b: {  	_ =	shalt  }
0x7c: {  	_ =	shalt  }
0x7d: {  	_ =	shalt  }
0x7e: {  	_ =	shalt  }
0x7f: {  	_ =	shalt  }
0x80: {  	_ =	shalt  }
0x81: {  	_ =	shalt  }
0x82: {  	_ =	shalt  }
0x83: {  	_ =	shalt  }
0x84: {  	_ =	shalt  }
0x85: {  	_ =	shalt  }
0x86: {  	_ =	shalt  }
0x87: {  	_ =	shalt  }
.Lfunc_end0:
.L_simem_size_0:
called_computation_lowered:
.L_overlay_start_0:
0x88: {  	s2 =	sld [smem:$0x3FD9]  }
0x89: {  	s3 =	sld [smem:$0x3FFE];
	_ =	sdelay $0x1  }
0x8a: {  	s1 =	srdreg.scid  }
0x8b: {  	s0 =	sand.u32 $0x1, s1  }
0x8c: {  	s17 =	sshll.u32 s0, $0xA;
	s2 =	sadd.s32 s3, s2  }
0x8d: {  	s2 =	sadd.s32 s2, s17  }
0x8e: {  	[smem:$0x3FC6] =	sst s2  }
0x8f: {  	_ = 	snop  }
0x90: {  	s2 =	sld [smem:$0x3FC8]  }
0x91: {  	s18 =	sld [smem:$0x3FD0];
	(tm) =	ssettm $0x1  }
0x92: {  	s4 =	sld [smem:$0x3FFB];
	_ =	sdelay $0x3  }
0x93: {  	_ =	strace s4  }
0x94: {  	s4 =	sld [smem:$0x3FFC];
	_ =	sdelay $0x3  }
0x95: {  	_ =	strace s4  }
0x96: {  	s4 =	sld [smem:$0x3FFD];
	_ =	sdelay $0x3  }
0x97: {  	_ =	strace s4  }
0x98: {  	_ =	strace $0x8FFFFFFF  }
0x99: {  	s19 =	sld [smem:$0x3FDB];
	_ =	sdelay $0x1  }
0x9a: {  	s5 =	simm.s32 $_scs_section_size  }
0x9b: {  	s6 =	simm.s32 $_size__tile_overlayer_lowered;
	s7 =	simm.s32 $_tile_overlayer_lowered  }
0x9c: {  	s22 =	simm.s32 $0x1BFF;
	s21 =	sshll.u32 s7, $0x1;
	s4 =	sadd.s32 s5, s19  }
0x9d: {  	s8 =	simm.s32 $0x0;
	s20 =	sshll.u32 s6, $0x1;
	s6 =	sadd.s32 s21, s4  }
0x9e: {  	[timem:s8], [sflag:s22] =	dma.local [hbm:s6], s20  }
0x9f: {  	_ =	swait.ge [sflag:s22], s20  }
0xa0: {  	s5 =	ssub.s32 $0x0, s20;
	[sflag:s22] =	ssyncset.done $0x0  }
0xa1: {  	[sflag:s22] =	ssyncadd.s32 s5;
	_ =	sdelay $0x1  }
0xa2: {  	s23 =	simm.s32 $0x1B8B  }
0xa3: {  	_ =	swait.ge [sflag:s23], $0x1  }
0xa4: {  	[sflag:s23] =	ssyncset.done $0x0  }
0xa5: {  	s25 =	simm.s32 $0x1B8E;
	s24 =	sld [smem:$0x3FFE];
	[sflag:s23] =	ssyncadd.s32 $0xFFFFFFFF  }
0xa6: {  	s26 =	simm.s32 $execute0_lowered;
	[smem:$0x3FD2] =	sst s25  }
0xa7: {  	s6 =	sshll.u32 s26, $0x1;
	_ =	strace $0x80000046;
	[dreg:$0x1] =	wrdreg $0xFFFFFFFF  }
0xa8: {  	s28 =	simm.s32 $_size_execute0_lowered;
	s4 =	sadd.s32 s4, s6;
	[dreg:$0x0] =	wrdreg $0x0  }
0xa9: {  	s6 =	sshll.u32 s28, $0x1;
	[dreg:$0x2] =	wrdreg s4  }
0xaa: {  	[dreg:$0x3] =	wrdreg s6  }
0xab: {  	[dreg:$0x4] =	wrdreg $0xC0  }
0xac: {  	_ =	task [dreg:s8], $0x5FFFF  }
0xad: {  	[dreg:$0x1] =	wrdreg $0xFFFFFFFF  }
0xae: {  	[dreg:$0x0] =	wrdreg $0x60  }
0xaf: {  	[dreg:$0x2] =	wrdreg s24  }
0xb0: {  	[dreg:$0x3] =	wrdreg s2  }
0xb1: {  	[dreg:$0x4] =	wrdreg s18  }
0xb2: {  	[dreg:$0x5] =	wrdreg $0x9  }
0xb3: {  	_ =	task.clear_ibuf [dreg:s8], $0x6FFFF;
	_ =	strace $0x90000046  }
0xb4: {  	s29 =	simm.s32 $0x9;
	_ =	strace $0x80000048  }
0xb5: {  	_ =	swait.ge [sflag:s29], $0x1  }
0xb6: {  	[sflag:s29] =	ssyncadd.s32 $0xFFFFFFFF  }
0xb7: {  	_ =	strace $0x90000048  }
0xb8: {  	_ =	sfence  }
0xb9: {  	s30 =	sld [smem:$0x0];
	_ =	sdelay $0x2  }
0xba: {  	s31 =	sshll.u32 s1, $0xD;
	s1 =	sshrl.u32 s1, $0x2  }
0xbb: {  	s3 =	sand.u32 $0x4000, s31;
	s1 =	sadd.s32 s1, s30  }
0xbc: {  	s0 =	sor.u32 s3, s0;
	s1 =	sshll.u32 s1, $0x11  }
0xbd: {  	s0 =	sor.u32 s1, s0  }
0xbe: {  	s0 =	sadd.s32 $0x8F2B, s0  }
0xbf: {  	[sflag:s0] =	ssyncadd.remote.s32 $0x1  }
0xc0: {  	_ =	sfence.sel $0xFFFF  }
0xc1: {  	[dreg:$0x0] =	wrdreg $0xFFFFFFFF;
	(pc) =	sbr.abs _section_cstart, $3  }
0xc2: {  	[dreg:$0x1] =	wrdreg $0xFFFFFFFF  }
0xc3: {  	_ =	task.clear_ibuf [dreg:s8], $0x2FFFF;
	_ =	strace $0x9FFFFFFF  }
0xc4: {  	(tm) =	ssettm $0x7FFFFFFF  }
0xc5: {  	_ =	shalt  }
tec
execute0_lowered:
.L_overlay_start_1:
0x0: {  	(tag) =	ssettag $0x1  }
0x1: {  	s4 =	rddreg [dreg:$0x0]  }
0x2: {  	s2 =	rddreg [dreg:$0x1]  }
0x3: {  	s0 =	srdreg.scid;
	s7 =	rddreg [dreg:$0x2]  }
0x4: {  	s1 =	stileid.u32;
	s3 =	simm.s32 $0x0;
	s12 =	simm.s32 $0x1400  }
0x5: {  	s14 =	simm.s32 $0x4C00;
	s13 =	simm.s32 $0x1C00;
	s15 =	simm.s32 $0x5400  }
0x6: {  	s16 =	simm.s32 $0x5C00;
	s17 =	simm.s32 $0x6C00;
	s18 =	simm.s32 $0x7400  }
0x7: {  	s20 =	simm.s32 $0x7C00;
	s19 =	simm.s32 $0x6400;
	s21 =	simm.s32 $0x2  }
0x8: {  	s22 =	simm.s32 $0x5;
	s23 =	simm.s32 $0x6;
	s24 =	simm.s32 $0x3  }
0x9: {  	s25 =	simm.s32 $0x4;
	s26 =	simm.s32 $0x7;
	s28 =	simm.s32 $0x8  }
0xa: {  	s29 =	simm.s32 $0x0;
	s8 =	sand.u32 $0x1, s0;
	s5 =	sshll.u32 s1, $0xB  }
0xb: {  	[smem:$0x7FF] =	sst s3;
	s10 =	sshll.u32 s1, $0x12;
	s6 =	sshll.u32 s8, $0xA  }
0xc: {  	s30 =	ssub.s32 $0x2, s8;
	_ =	strace $0x80000047;
	[dreg:$0x5] =	wrdreg s14  }
0xd: {  	s10 =	sadd.s32 s10, s7;
	s11 =	sshll.u32 s8, $0x11;
	[dreg:$0x6] =	wrdreg s15  }
0xe: {  	s7 =	sadd.s32 $0x300, s2;
	s14 =	simm.s32 $0x2400;
	[dreg:$0x7] =	wrdreg s16  }
0xf: {  	s15 =	simm.s32 $0x2C00;
	s16 =	simm.s32 $0x3400;
	[dreg:$0x8] =	wrdreg s17  }
0x10: {  	s17 =	simm.s32 $0x3C00;
	[dreg:$0x9] =	wrdreg s18;
	s18 =	simm.s32 $0x4400  }
0x11: {  	[dreg:$0xa] =	wrdreg s20;
	s20 =	simm.s32 $0x1;
	s5 =	sor.u32 s6, s5  }
0x12: {  	s9 =	sshrl.u32 s30, $0x1;
	s6 =	sadd.s32 $0x200, s2;
	s31 =	sadd.s32 s11, s10  }
0x13: {  	v0 =	vlaneseq.u32;
	s10 =	simm.s32 $0x400;
	s5 =	sshrl.u32 s5, $0x3;
	s9 =	ssub.s32 s30, s9  }
0x14: {  	v1 =	vshrl.u32 v0, $0x3;
	[dreg:$0x4] =	wrdreg s31;
	s4 =	sadd.s32 s5, s4;
	s5 =	sadd.s32 $0x100, s2  }
0x15: {  	vm0 =	vmmov $0xffff;
	v0 =	vand.u32 $0x7, v0;
	v1 =	vmul.u32 $0x8, v1;
	s8 =	smax.u32 s9, $0x1;
	s9 =	simm.s32 $0x9;
	s4 =	sadd.s32 $0x400, s4  }
.LBB2_1:
0x16: {  	[tilespmem:s3], [sflag:$0x9] =	stream.linear.gather [hbm4b:s4+s3], $0x400, $0x38;
	[tilespmem:$0x8400] =	vst v63  }
0x17: {  	_ =	swait.ge [sflag:s9], $0x400  }
0x18: {  	[sflag:s9] =	ssyncset.done $0x0  }
0x19: {  	[sflag:s9] =	ssyncadd.s32 $0xFFFFFC00  }
0x1a: {  	v2 =	vld.msk [tilespmem:$0x0], $0xff;
	_ =	sdelay $0x4  }
0x1b: {  	v3 =	vshll.u32 v2, $0x3  }
0x1c: {  	v2 =	vand.u32 $0x7, v2;
	v3 =	vand.u32 $0xFFFFFFC0, v3  }
0x1d: {  	v2 =	vor.u32 v2, v3  }
0x1e: {  	v2 =	vperm.xlane v2, v0;
	_ =	sdelay $0x1  }
0x1f: {  	v2 =	vadd.s32 v1, v2;
	_ =	sdelay $0x4  }
0x20: {  	[tilespmem:s10], [sflag:$0x1] =	stream.indirect_vreg.gather [hbm4b:s2+s3], $0x80, v2, vm0, $0xb8;
	[tilespmem:$0x8400] =	vst v63  }
0x21: {  	s0 =	simm.s32 $0xC00  }
0x22: {  	[tilespmem:s0], [sflag:$0x1] =	stream.indirect_vreg.gather [hbm4b:s5+s3], $0x80, v2, vm0, $0xb8;
	[tilespmem:$0x8400] =	vst v63  }
0x23: {  	_ = 	snop  }
0x24: {  	[tilespmem:s12], [sflag:$0x1] =	stream.indirect_vreg.gather [hbm4b:s6+s3], $0x80, v2, vm0, $0xb8;
	[tilespmem:$0x8400] =	vst v63  }
0x25: {  	_ = 	snop  }
0x26: {  	[tilespmem:s13], [sflag:$0x1] =	stream.indirect_vreg.gather [hbm4b:s7+s3], $0x80, v2, vm0, $0xb8;
	[tilespmem:$0x8400] =	vst v63  }
0x27: {  	v2 =	vld.msk [tilespmem:$0x8], $0xff;
	_ =	sdelay $0x4  }
0x28: {  	v3 =	vshll.u32 v2, $0x3  }
0x29: {  	v2 =	vand.u32 $0x7, v2;
	v3 =	vand.u32 $0xFFFFFFC0, v3  }
0x2a: {  	v2 =	vor.u32 v2, v3  }
0x2b: {  	v2 =	vperm.xlane v2, v0;
	_ =	sdelay $0x1  }
0x2c: {  	v2 =	vadd.s32 v1, v2;
	_ =	sdelay $0x4  }
0x2d: {  	[tilespmem:s14], [sflag:$0x2] =	stream.indirect_vreg.gather [hbm4b:s2+s3], $0x80, v2, vm0, $0xb8;
	[tilespmem:$0x8400] =	vst v63  }
0x2e: {  	_ = 	snop  }
0x2f: {  	[tilespmem:s15], [sflag:$0x2] =	stream.indirect_vreg.gather [hbm4b:s5+s3], $0x80, v2, vm0, $0xb8;
	[tilespmem:$0x8400] =	vst v63  }
0x30: {  	_ = 	snop  }
0x31: {  	[tilespmem:s16], [sflag:$0x2] =	stream.indirect_vreg.gather [hbm4b:s6+s3], $0x80, v2, vm0, $0xb8;
	[tilespmem:$0x8400] =	vst v63  }
0x32: {  	s30 =	simm.s32 $0x18;
	s31 =	simm.s32 $0x0  }
0x33: {  	[tilespmem:s17], [sflag:$0x2] =	stream.indirect_vreg.gather [hbm4b:s7+s3], $0x80, v2, vm0, $0xb8;
	[tilespmem:$0x8400] =	vst v63  }
.LBB2_2:
0x34: {  	p0 =	seq.s32 s31, $0x0  }
0x35: {  	s0 =	simm.s32 @!p0 $0x7  }
0x36: {  	_ =	swait.ge @!p0 [sflag:s0], $0x2000  }
0x37: {  	[sflag:s0] =	ssyncset.done @!p0 $0x0  }
0x38: {  	[sflag:s0] =	ssyncadd.s32 @!p0 $0xFFFFE000;
	s0 =	simm.s32 @!p0 $0x8  }
0x39: {  	_ =	swait.ge @!p0 [sflag:s0], $0x2000  }
0x3a: {  	[sflag:s0] =	ssyncset.done @!p0 $0x0  }
0x3b: {  	[sflag:s0] =	ssyncadd.s32 @!p0 $0xFFFFE000  }
0x3c: {  	v2 =	vld.msk [tilespmem:s30+$0xFFFFFFF8], $0xff;
	_ =	sdelay $0x4  }
0x3d: {  	v3 =	vshll.u32 v2, $0x3  }
0x3e: {  	v2 =	vand.u32 $0x7, v2;
	v3 =	vand.u32 $0xFFFFFFC0, v3  }
0x3f: {  	v2 =	vor.u32 v2, v3  }
0x40: {  	v2 =	vperm.xlane v2, v0;
	_ =	sdelay $0x1  }
0x41: {  	v2 =	vadd.s32 v1, v2;
	_ =	sdelay $0x4  }
0x42: {  	[tilespmem:s18], [sflag:$0x3] =	stream.indirect_vreg.gather [hbm4b:s2+s3], $0x80, v2, vm0, $0xb8;
	[tilespmem:$0x8400] =	vst v63  }
0x43: {  	s11 =	rddreg [dreg:$0x5]  }
0x44: {  	[tilespmem:s11], [sflag:$0x3] =	stream.indirect_vreg.gather [hbm4b:s5+s3], $0x80, v2, vm0, $0xb8;
	[tilespmem:$0x8400] =	vst v63  }
0x45: {  	s1 =	rddreg [dreg:$0x6]  }
0x46: {  	[tilespmem:s1], [sflag:$0x3] =	stream.indirect_vreg.gather [hbm4b:s6+s3], $0x80, v2, vm0, $0xb8;
	[tilespmem:$0x8400] =	vst v63  }
0x47: {  	s11 =	rddreg [dreg:$0x7]  }
0x48: {  	[tilespmem:s11], [sflag:$0x3] =	stream.indirect_vreg.gather [hbm4b:s7+s3], $0x80, v2, vm0, $0xb8;
	[tilespmem:$0x8400] =	vst v63  }
0x49: {  	v2 =	vld.msk [tilespmem:s30+$0x0], $0xff;
	_ =	sdelay $0x4  }
0x4a: {  	v3 =	vshll.u32 v2, $0x3  }
0x4b: {  	v2 =	vand.u32 $0x7, v2;
	v3 =	vand.u32 $0xFFFFFFC0, v3  }
0x4c: {  	v2 =	vor.u32 v2, v3  }
0x4d: {  	v2 =	vperm.xlane v2, v0;
	_ =	sdelay $0x1  }
0x4e: {  	v2 =	vadd.s32 v1, v2;
	_ =	sdelay $0x4  }
0x4f: {  	[tilespmem:s19], [sflag:$0x4] =	stream.indirect_vreg.gather [hbm4b:s2+s3], $0x80, v2, vm0, $0xb8;
	[tilespmem:$0x8400] =	vst v63  }
0x50: {  	s11 =	rddreg [dreg:$0x8]  }
0x51: {  	[tilespmem:s11], [sflag:$0x4] =	stream.indirect_vreg.gather [hbm4b:s5+s3], $0x80, v2, vm0, $0xb8;
	[tilespmem:$0x8400] =	vst v63  }
0x52: {  	s1 =	rddreg [dreg:$0x9]  }
0x53: {  	[tilespmem:s1], [sflag:$0x4] =	stream.indirect_vreg.gather [hbm4b:s6+s3], $0x80, v2, vm0, $0xb8;
	[tilespmem:$0x8400] =	vst v63  }
0x54: {  	s11 =	rddreg [dreg:$0xa]  }
0x55: {  	[tilespmem:s11], [sflag:$0x4] =	stream.indirect_vreg.gather [hbm4b:s7+s3], $0x80, v2, vm0, $0xb8;
	[tilespmem:$0x8400] =	vst v63  }
0x56: {  	_ =	swait.ge [sflag:s20], $0x2000  }
0x57: {  	s1 =	rddreg [dreg:$0x4];
	[sflag:s20] =	ssyncset.done $0x0  }
0x58: {  	[sflag:s20] =	ssyncadd.s32 $0xFFFFE000;
	s0 =	sadd.s32 s31, s1  }
0x59: {  	[hbm4b:s0+s3] =	stream.linear.scatter [tilespmem:s10], [sflag:$0x5], $0x2000, $0x38;
	[tilespmem:$0x8400] =	vst v63  }
0x5a: {  	_ =	swait.ge [sflag:s21], $0x2000  }
0x5b: {  	[sflag:s21] =	ssyncset.done $0x0  }
0x5c: {  	s11 =	sadd.s32 $0x400, s0;
	[sflag:s21] =	ssyncadd.s32 $0xFFFFE000  }
0x5d: {  	[hbm4b:s11+s3] =	stream.linear.scatter [tilespmem:s14], [sflag:$0x6], $0x2000, $0x38;
	[tilespmem:$0x8400] =	vst v63  }
0x5e: {  	_ =	swait.ge [sflag:s22], $0x2000  }
0x5f: {  	[sflag:s22] =	ssyncset.done $0x0  }
0x60: {  	[sflag:s22] =	ssyncadd.s32 $0xFFFFE000  }
0x61: {  	_ =	swait.ge [sflag:s23], $0x2000  }
0x62: {  	[sflag:s23] =	ssyncset.done $0x0  }
0x63: {  	p0 =	seq.s32 s31, $0x1F000;
	[sflag:s23] =	ssyncadd.s32 $0xFFFFE000  }
0x64: {  	v2 =	vld.msk @!p0 [tilespmem:s30+$0x8], $0xff;
	_ =	sdelay $0x4  }
0x65: {  	v3 =	vshll.u32 @!p0 v2, $0x3  }
0x66: {  	v4 =	vlaneseq.u32 @!p0;
	v2 =	vand.u32 @!p0 $0x7, v2;
	v3 =	vand.u32 @!p0 $0xFFFFFFC0, v3  }
0x67: {  	v2 =	vor.u32 @!p0 v2, v3;
	v3 =	vand.u32 @!p0 $0x7, v4;
	v4 =	vshrl.u32 @!p0 v4, $0x3  }
0x68: {  	v2 =	vperm.xlane @!p0 v2, v3;
	v4 =	vmul.u32 @!p0 $0x8, v4;
	_ =	sdelay $0x1  }
0x69: {  	v2 =	vadd.s32 @!p0 v4, v2;
	_ =	sdelay $0x3  }
0x6a: {  	vm1 =	vmmov @!p0 $0xffff;
	s1 =	simm.s32 @!p0 $0x0;
	s11 =	simm.s32 @!p0 $0x400  }
0x6b: {  	[tilespmem:s11], [sflag:$0x1] =	stream.indirect_vreg.gather @!p0 [hbm4b:s2+s1], $0x80, v2, vm1, $0xb8;
	[tilespmem:$0x8400] =	vst v63  }
0x6c: {  	s11 =	simm.s32 @!p0 $0xC00  }
0x6d: {  	[tilespmem:s11], [sflag:$0x1] =	stream.indirect_vreg.gather @!p0 [hbm4b:s5+s1], $0x80, v2, vm1, $0xb8;
	[tilespmem:$0x8400] =	vst v63  }
0x6e: {  	s11 =	simm.s32 @!p0 $0x1400  }
0x6f: {  	[tilespmem:s11], [sflag:$0x1] =	stream.indirect_vreg.gather @!p0 [hbm4b:s6+s1], $0x80, v2, vm1, $0xb8;
	[tilespmem:$0x8400] =	vst v63  }
0x70: {  	s11 =	simm.s32 @!p0 $0x1C00  }
0x71: {  	[tilespmem:s11], [sflag:$0x1] =	stream.indirect_vreg.gather @!p0 [hbm4b:s7+s1], $0x80, v2, vm1, $0xb8;
	[tilespmem:$0x8400] =	vst v63  }
0x72: {  	v2 =	vld.msk @!p0 [tilespmem:s30+$0x10], $0xff;
	_ =	sdelay $0x4  }
0x73: {  	v5 =	vshll.u32 @!p0 v2, $0x3  }
0x74: {  	v2 =	vand.u32 @!p0 $0x7, v2;
	v5 =	vand.u32 @!p0 $0xFFFFFFC0, v5  }
0x75: {  	v2 =	vor.u32 @!p0 v2, v5  }
0x76: {  	v2 =	vperm.xlane @!p0 v2, v3;
	_ =	sdelay $0x1  }
0x77: {  	v2 =	vadd.s32 @!p0 v4, v2;
	_ =	sdelay $0x3  }
0x78: {  	s11 =	simm.s32 @!p0 $0x2400  }
0x79: {  	[tilespmem:s11], [sflag:$0x2] =	stream.indirect_vreg.gather @!p0 [hbm4b:s2+s1], $0x80, v2, vm1, $0xb8;
	[tilespmem:$0x8400] =	vst v63  }
0x7a: {  	s11 =	simm.s32 @!p0 $0x2C00  }
0x7b: {  	[tilespmem:s11], [sflag:$0x2] =	stream.indirect_vreg.gather @!p0 [hbm4b:s5+s1], $0x80, v2, vm1, $0xb8;
	[tilespmem:$0x8400] =	vst v63  }
0x7c: {  	s11 =	simm.s32 @!p0 $0x3400  }
0x7d: {  	[tilespmem:s11], [sflag:$0x2] =	stream.indirect_vreg.gather @!p0 [hbm4b:s6+s1], $0x80, v2, vm1, $0xb8;
	[tilespmem:$0x8400] =	vst v63  }
0x7e: {  	s11 =	simm.s32 @!p0 $0x3C00  }
0x7f: {  	[tilespmem:s11], [sflag:$0x2] =	stream.indirect_vreg.gather @!p0 [hbm4b:s7+s1], $0x80, v2, vm1, $0xb8;
	[tilespmem:$0x8400] =	vst v63  }
0x80: {  	_ =	swait.ge [sflag:s24], $0x2000  }
0x81: {  	s31 =	sadd.s32 $0x1000, s31;
	[sflag:s24] =	ssyncset.done $0x0  }
0x82: {  	s11 =	sadd.s32 $0x800, s0;
	p0 =	sne.s32 s31, $0x20000;
	[sflag:s24] =	ssyncadd.s32 $0xFFFFE000  }
0x83: {  	[hbm4b:s11+s3] =	stream.linear.scatter [tilespmem:s18], [sflag:$0x7], $0x2000, $0x38;
	[tilespmem:$0x8400] =	vst v63  }
.Ltmp0:
0x84: {  	_ = 	snop;
	(pc) =	sbr.rel @p0 .LBB2_2-.Ltmp0, $4  }
0x85: {  	_ =	swait.ge [sflag:s25], $0x2000  }
0x86: {  	[sflag:s25] =	ssyncset.done $0x0  }
0x87: {  	s30 =	sadd.s32 $0x20, s30;
	s0 =	sadd.s32 $0xC00, s0;
	[sflag:s25] =	ssyncadd.s32 $0xFFFFE000  }
0x88: {  	[hbm4b:s0+s3] =	stream.linear.scatter [tilespmem:s19], [sflag:$0x8], $0x2000, $0x38;
	[tilespmem:$0x8400] =	vst v63  }
0x89: {  	s29 =	sadd.s32 $0x1, s29  }
0x8a: {  	_ =	swait.ge [sflag:s26], $0x2000;
	p0 =	sne.s32 s29, s8  }
.Ltmp1:
0x8b: {  	[sflag:s26] =	ssyncset.done $0x0;
	(pc) =	sbr.rel @p0 .LBB2_1-.Ltmp1, $4  }
0x8c: {  	[sflag:s26] =	ssyncadd.s32 $0xFFFFE000  }
0x8d: {  	_ =	swait.ge [sflag:s28], $0x2000  }
0x8e: {  	[sflag:s28] =	ssyncset.done $0x0  }
0x8f: {  	[sflag:s28] =	ssyncadd.s32 $0xFFFFE000  }
0x90: {  	_ =	sfence.sel $0x180000  }
0x91: {  	[bflag:$0x0] =	sbarrier.arrive $0xFFFF  }
0x92: {  	_ =	strace $0x90000047  }
0x93: {  	s0 =	stileid.u32;
	[bflag:$0x2] =	sbarrier.arrive $0xFFFF  }
0x94: {  	p0 =	sne.s32 s0, $0x0;
	s0 =	rddreg [dreg:$0x3]  }
0x95: {  	s0 =	sadd.s32 @!p0 $0x100000, s0  }
0x96: {  	[sflag:s0] =	ssyncadd.tile.s32 @!p0 $0x1;
	_ =	shalt  }
.Lfunc_end2:
_tile_overlayer_lowered:
.L_overlay_start_2:
0x97: {  	(tag) =	ssettag $0x2  }
0x98: {  	s0 =	rddreg [dreg:$0x0];
	s2 =	stileid.u32  }
0x99: {  	s1 =	rddreg [dreg:$0x1];
	p0 =	sne.s32 s2, $0x0  }
0x9a: {  	s3 =	rddreg [dreg:$0x2];
	[bflag:$0x3] =	sbarrier.arrive $0xFFFF;
	s2 =	simm.s32 @!p0 $0x1C09  }
0x9b: {  	[timem:s3], [sflag:s2] =	dma.local @!p0 [hbm:s0], s1  }
0x9c: {  	s0 =	simm.s32 @!p0 $0x9  }
0x9d: {  	_ =	swait.ge @!p0 [sflag:s0], s1  }
0x9e: {  	s1 =	ssub.s32 @!p0 $0x0, s1;
	[sflag:s0] =	ssyncset.done @!p0 $0x0  }
0x9f: {  	[sflag:s0] =	ssyncadd.s32 @!p0 s1  }
0xa0: {  	[bflag:$0x3] =	sbarrier.arrive $0xFFFF  }
0xa1: {  	_ =	shalt  }

</sc_bundles>
